<compile_context>
chip_gen: v7x
topology: tpu7x:2x2x1
jax: 0.10.2.dev20260603
libtpu: 0.0.44.dev20260713+nightly
codegen_flags: <defaults>
</compile_context>

<pallas_src>
import functools
import math

import jax
import jax.numpy as jnp
from jax import lax
from jax.experimental import pallas as pl
from jax.experimental.pallas import tpu as pltpu
from jax.experimental.pallas import tpu_sc as plsc

NUM_SAMPLED = 8192
NUM_CLASSES = 100000
DIM = 128
BATCH = 4096

_LOG_NS = math.log(float(NUM_SAMPLED))
_LOG_NC1 = math.log(float(NUM_CLASSES + 1.0))


def _sample_candidates():
    u = jax.random.uniform(jax.random.key(1), (NUM_SAMPLED,), dtype=jnp.float32)
    s = jnp.floor(jnp.exp(u * jnp.log(NUM_CLASSES + 1.0))) - 1.0
    return jnp.clip(s, 0, NUM_CLASSES - 1).astype(jnp.int32)


def _sc_gather(table, idx):
    B = idx.shape[0]
    info = plsc.get_sparse_core_info()
    nc, ns = info.num_cores, info.num_subcores
    nw = nc * ns
    b_per_w = B // nw
    mesh = plsc.VectorSubcoreMesh(core_axis_name="c", subcore_axis_name="s")

    @functools.partial(
        pl.kernel,
        mesh=mesh,
        out_type=jax.ShapeDtypeStruct((B, DIM), jnp.float32),
        scratch_types=[
            pltpu.VMEM((b_per_w,), jnp.int32),
            pltpu.VMEM((b_per_w, DIM), jnp.float32),
            pltpu.SemaphoreType.DMA,
        ],
    )
    def gather_kernel(table_hbm, idx_hbm, out_hbm, idx_v, rows_v, sem):
        wid = lax.axis_index("s") * nc + lax.axis_index("c")
        base = wid * b_per_w
        pltpu.sync_copy(idx_hbm.at[pl.ds(base, b_per_w)], idx_v)
        pltpu.async_copy(table_hbm.at[idx_v], rows_v, sem).wait()
        pltpu.sync_copy(rows_v, out_hbm.at[pl.ds(base, b_per_w)])

    return gather_kernel(table, idx)


_BB = 256


def _loss_body(x_ref, w_ref, tw_ref, lab_ref, sid_ref, out_ref):
    x = x_ref[...]
    w = w_ref[...]
    xb = x.astype(jnp.bfloat16)
    wb = w.astype(jnp.bfloat16)
    logits = lax.dot_general(
        xb, wb, (((1,), (1,)), ((), ())), preferred_element_type=jnp.float32
    )

    sids = sid_ref[...]
    sf = sids.astype(jnp.float32)
    corr = _LOG_NS + jnp.log(
        (jnp.log(sf + 2.0) - jnp.log(sf + 1.0)) / _LOG_NC1
    )
    e = jnp.exp(logits - corr)
    labels = lab_ref[0]
    e = jnp.where(labels == sids, 0.0, e)
    se = jnp.sum(e, axis=1, keepdims=True)

    tw = tw_ref[...]
    tdot = jnp.sum(x * tw, axis=1, keepdims=True)
    lf = labels.astype(jnp.float32)
    tcorr = _LOG_NS + jnp.log(
        (jnp.log(lf + 2.0) - jnp.log(lf + 1.0)) / _LOG_NC1
    )
    tl = tdot - tcorr

    se = se + jnp.exp(tl)
    out_ref[...] = jnp.log(se) - tl


def _tc_loss(x, w, tw, labels3, sids2, interpret=False):
    grid = (BATCH // _BB,)
    return pl.pallas_call(
        _loss_body,
        grid=grid,
        in_specs=[
            pl.BlockSpec((_BB, DIM), lambda i: (i, 0)),
            pl.BlockSpec((NUM_SAMPLED, DIM), lambda i: (0, 0)),
            pl.BlockSpec((_BB, DIM), lambda i: (i, 0)),
            pl.BlockSpec((1, _BB, 1), lambda i: (i, 0, 0)),
            pl.BlockSpec((1, NUM_SAMPLED), lambda i: (0, 0)),
        ],
        out_specs=pl.BlockSpec((_BB, 1), lambda i: (i, 0)),
        out_shape=jax.ShapeDtypeStruct((BATCH, 1), jnp.float32),
        interpret=interpret,
    )(x, w, tw, labels3, sids2)


def kernel(embeddings, inputs, zero_bias, label_idx):
    del zero_bias
    labels = label_idx.reshape(-1)
    sampled = _sample_candidates()
    all_idx = jnp.concatenate([sampled, labels])
    rows = _sc_gather(embeddings, all_idx)
    w = rows[:NUM_SAMPLED]
    tw = rows[NUM_SAMPLED:]
    labels3 = labels.reshape(BATCH // _BB, _BB, 1)
    sids2 = sampled.reshape(1, NUM_SAMPLED)
    return _tc_loss(inputs, w, tw, labels3, sids2)

# --- scband reference (transcript-rebuilt; emitter-appended) ---
"""Pipeline reference for scband-sampled-softmax-layer-3659312136267 (READ-ONLY COPY).

The authoritative reference and input builder live on the scoring server;
editing this copy changes nothing except your own understanding.
"""

import jax, jax.numpy as jnp
import numpy as np

NUM_SAMPLED = 8192
NUM_CLASSES = 100000
DIM = 128
BATCH = 4096


def setup_inputs(seed: int = 0) -> dict:
    key = jax.random.key(seed)
    k1, k2, k3 = jax.random.split(key, 3)
    embeddings = jax.random.normal(k1, (NUM_CLASSES, DIM), dtype=jnp.float32)
    inputs = jax.random.normal(k2, (BATCH, DIM), dtype=jnp.float32)
    label_idx = jax.random.randint(k3, (BATCH, 1), 0, NUM_CLASSES).astype(jnp.int32)
    zero_bias = jnp.zeros((NUM_CLASSES,), dtype=jnp.float32)  # layer weight, trainable=False
    return {"embeddings": embeddings, "inputs": inputs, "zero_bias": zero_bias, "label_idx": label_idx}


def _log_uniform_logprob(ids_f, num_classes):
    # TF log-uniform candidate sampler probability: P(c) = (log(c+2)-log(c+1))/log(num_classes+1)
    return jnp.log((jnp.log(ids_f + 2.0) - jnp.log(ids_f + 1.0)) / jnp.log(num_classes + 1.0))


def _sample_candidates():
    # deterministic log-uniform candidate sampling (fixed key), mirrors TF's sampler distribution
    u = jax.random.uniform(jax.random.key(1), (NUM_SAMPLED,), dtype=jnp.float32)
    s = jnp.floor(jnp.exp(u * jnp.log(NUM_CLASSES + 1.0))) - 1.0
    return jnp.clip(s, 0, NUM_CLASSES - 1).astype(jnp.int32)


def reference(embeddings, inputs, zero_bias, label_idx):
    labels = label_idx.reshape(-1)
    sampled = _sample_candidates()
    log_ns = jnp.log(float(NUM_SAMPLED))
    # true-class logits
    true_w = jnp.take(embeddings, labels, axis=0)
    true_b = jnp.take(zero_bias, labels, axis=0)
    true_logits = jnp.sum(inputs * true_w, axis=-1) + true_b
    true_logits = true_logits - (log_ns + _log_uniform_logprob(labels.astype(jnp.float32), NUM_CLASSES))
    # sampled-class logits
    sampled_w = jnp.take(embeddings, sampled, axis=0)
    sampled_b = jnp.take(zero_bias, sampled, axis=0)
    sampled_logits = inputs @ sampled_w.T + sampled_b[None, :]
    sampled_logits = sampled_logits - (log_ns + _log_uniform_logprob(sampled.astype(jnp.float32), NUM_CLASSES))[None, :]
    # remove accidental hits (TF default remove_accidental_hits=True)
    hit = labels[:, None] == sampled[None, :]
    sampled_logits = jnp.where(hit, sampled_logits - 1e9, sampled_logits)
    logits = jnp.concatenate([true_logits[:, None], sampled_logits], axis=1)
    # softmax cross entropy with true class in column 0
    loss = jax.nn.logsumexp(logits, axis=1) - logits[:, 0]
    return loss[:, None]

if __name__ == "__main__":
    import jax
    _d = setup_inputs()
    print(jax.jit(kernel)(*tuple(_d.values())))

</pallas_src>

<mosaic_0001>
#map = affine_map<(d0, d1) -> (0, 0)>
#map1 = affine_map<(d0, d1) -> (0)>
module attributes {stable_mosaic.version = 14 : i64} {
  func.func @gather_kernel(%arg0: i32, %arg1: i32, %arg2: memref<100000x128xf32, #tpu.memory_space<hbm>>, %arg3: memref<12288xi32, #tpu.memory_space<hbm>>, %arg4: memref<12288x128xf32, #tpu.memory_space<hbm>>, %arg5: memref<384xi32, #tpu.memory_space<vmem>>, %arg6: memref<384x128xf32, #tpu.memory_space<vmem>>, %arg7: memref<!tpu.dma_semaphore, #tpu.memory_space<semaphore_mem>>) attributes {dimension_semantics = [#tpu.dimension_semantics<core_parallel>, #tpu.dimension_semantics<subcore_parallel>], iteration_bounds = array<i64: 2, 16>, scalar_prefetch = 0 : i64, scratch_operands = 3 : i64, tpu.core_type = #tpu.core_type<sc_vector_subcore>, window_params = [{transform_indices = #map}, {transform_indices = #map1}, {transform_indices = #map}]} {
    %mul3A = arith.constant 2 : i32
    %mul3A_0 = arith.muli %arg1, %mul3A : i32
    %add3A = arith.addi %mul3A_0, %arg0 : i32
    %mul3A_1 = arith.constant 384 : i32
    %mul3A_2 = arith.muli %add3A, %mul3A_1 : i32
    "tpu.region"() ({
      %run_scoped3A = tpu.sem_alloc : memref<!tpu.dma_semaphore, #tpu.memory_space<semaphore_mem>>
      %dma_start3A_7 = tpu.memref_slice %arg3[%mul3A_2] : memref<12288xi32, #tpu.memory_space<hbm>> -> memref<384xi32, #tpu.memory_space<hbm>>
      %dma_start3A_8 = tpu.memref_slice %arg3[%mul3A_2] : memref<12288xi32, #tpu.memory_space<hbm>> -> memref<384xi32, #tpu.memory_space<hbm>>
      tpu.enqueue_dma source(%dma_start3A_8 : memref<384xi32, #tpu.memory_space<hbm>>) target(%arg5 : memref<384xi32, #tpu.memory_space<vmem>>) target_semaphore(%run_scoped3A : memref<!tpu.dma_semaphore, #tpu.memory_space<semaphore_mem>>)
      %dma_wait3A_9 = tpu.memref_slice %arg3[%mul3A_2] : memref<12288xi32, #tpu.memory_space<hbm>> -> memref<384xi32, #tpu.memory_space<hbm>>
      %dma_wait3A_10 = tpu.memref_slice %arg3[%mul3A_2] : memref<12288xi32, #tpu.memory_space<hbm>> -> memref<384xi32, #tpu.memory_space<hbm>>
      tpu.wait_dma2 semaphore(%run_scoped3A : memref<!tpu.dma_semaphore, #tpu.memory_space<semaphore_mem>>) src(%dma_wait3A_10 : memref<384xi32, #tpu.memory_space<hbm>>) dst(%arg5 : memref<384xi32, #tpu.memory_space<vmem>>)
      tpu.yield
    }) : () -> ()
    %dma_start3A = arith.constant 0 : i32
    %dma_start3A_3 = arith.constant 0 : i32
    %dma_start3A_4 = tpu.memref_slice %arg2[%dma_start3A, %dma_start3A_3] : memref<100000x128xf32, #tpu.memory_space<hbm>> -> memref<100000x128xf32, #tpu.memory_space<hbm>>
    tpu.enqueue_indirect_dma source(%dma_start3A_4 : memref<100000x128xf32, #tpu.memory_space<hbm>>) target(%arg6 : memref<384x128xf32, #tpu.memory_space<vmem>>) offsets(%arg5 : memref<384xi32, #tpu.memory_space<vmem>>) semaphore(%arg7 : memref<!tpu.dma_semaphore, #tpu.memory_space<semaphore_mem>>)
    %dma_wait3A = arith.constant 0 : i32
    %dma_wait3A_5 = arith.constant 0 : i32
    %dma_wait3A_6 = tpu.memref_slice %arg2[%dma_wait3A, %dma_wait3A_5] : memref<100000x128xf32, #tpu.memory_space<hbm>> -> memref<100000x128xf32, #tpu.memory_space<hbm>>
    tpu.wait_indirect_dma semaphore(%arg7 : memref<!tpu.dma_semaphore, #tpu.memory_space<semaphore_mem>>) src(%dma_wait3A_6 : memref<100000x128xf32, #tpu.memory_space<hbm>>) dst(%arg6 : memref<384x128xf32, #tpu.memory_space<vmem>>)
    "tpu.region"() ({
      %run_scoped3A = tpu.sem_alloc : memref<!tpu.dma_semaphore, #tpu.memory_space<semaphore_mem>>
      %dma_start3A_7 = arith.constant 0 : i32
      %dma_start3A_8 = tpu.memref_slice %arg4[%mul3A_2, %dma_start3A_7] : memref<12288x128xf32, #tpu.memory_space<hbm>> -> memref<384x128xf32, #tpu.memory_space<hbm>>
      %dma_start3A_9 = arith.constant 0 : i32
      %dma_start3A_10 = tpu.memref_slice %arg4[%mul3A_2, %dma_start3A_9] : memref<12288x128xf32, #tpu.memory_space<hbm>> -> memref<384x128xf32, #tpu.memory_space<hbm>>
      tpu.enqueue_dma source(%arg6 : memref<384x128xf32, #tpu.memory_space<vmem>>) target(%dma_start3A_10 : memref<384x128xf32, #tpu.memory_space<hbm>>) target_semaphore(%run_scoped3A : memref<!tpu.dma_semaphore, #tpu.memory_space<semaphore_mem>>)
      %dma_wait3A_11 = arith.constant 0 : i32
      %dma_wait3A_12 = tpu.memref_slice %arg4[%mul3A_2, %dma_wait3A_11] : memref<12288x128xf32, #tpu.memory_space<hbm>> -> memref<384x128xf32, #tpu.memory_space<hbm>>
      %dma_wait3A_13 = arith.constant 0 : i32
      %dma_wait3A_14 = tpu.memref_slice %arg4[%mul3A_2, %dma_wait3A_13] : memref<12288x128xf32, #tpu.memory_space<hbm>> -> memref<384x128xf32, #tpu.memory_space<hbm>>
      tpu.wait_dma2 semaphore(%run_scoped3A : memref<!tpu.dma_semaphore, #tpu.memory_space<semaphore_mem>>) src(%arg6 : memref<384x128xf32, #tpu.memory_space<vmem>>) dst(%dma_wait3A_14 : memref<384x128xf32, #tpu.memory_space<hbm>>)
      tpu.yield
    }) : () -> ()
    return
  }
}

module attributes {stable_mosaic.version = 14 : i64} {
  func.func @_loss_body(%arg0: i32, %arg1: memref<256x128xf32, #tpu.memory_space<vmem>>, %arg2: memref<8192x128xf32, #tpu.memory_space<vmem>>, %arg3: memref<256x128xf32, #tpu.memory_space<vmem>>, %arg4: memref<1x256x1xi32, #tpu.memory_space<vmem>>, %arg5: memref<1x8192xi32, #tpu.memory_space<vmem>>, %arg6: memref<256x1xf32, #tpu.memory_space<vmem>>) attributes {dimension_semantics = [#tpu.dimension_semantics<arbitrary>], iteration_bounds = array<i64: 16>, scalar_prefetch = 0 : i64, scratch_operands = 0 : i64, tpu.core_type = #tpu.core_type<tc>, window_params = [{transform_indices = @transform_0, window_bounds = array<i64: 256, 128>}, {pipeline_mode = #tpu.pipeline_mode<synchronous>, transform_indices = @transform_1, window_bounds = array<i64: 8192, 128>}, {transform_indices = @transform_2, window_bounds = array<i64: 256, 128>}, {transform_indices = @transform_3, window_bounds = array<i64: 1, 256, 1>}, {pipeline_mode = #tpu.pipeline_mode<synchronous>, transform_indices = @transform_4, window_bounds = array<i64: 1, 8192>}, {transform_indices = @transform_5, window_bounds = array<i64: 256, 1>}]} {
    %get3A = arith.constant 0 : index
    %get3A_0 = arith.constant 0 : index
    %get3A_1 = vector.load %arg1[%get3A, %get3A_0] : memref<256x128xf32, #tpu.memory_space<vmem>>, vector<256x128xf32>
    %get3A_2 = arith.constant 0 : index
    %get3A_3 = arith.constant 0 : index
    %get3A_4 = vector.load %arg2[%get3A_2, %get3A_3] : memref<8192x128xf32, #tpu.memory_space<vmem>>, vector<8192x128xf32>
    %convert_element_type3A = arith.truncf %get3A_1 : vector<256x128xf32> to vector<256x128xbf16>
    %convert_element_type3A_5 = arith.truncf %get3A_4 : vector<8192x128xf32> to vector<8192x128xbf16>
    %dot_general3A = arith.constant dense<0.000000e+00> : vector<256x8192xf32>
    %dot_general3A_6 = tpu.matmul %convert_element_type3A, %convert_element_type3A_5, %dot_general3A {dimension_numbers = #tpu.dot_dimension_numbers<[1], [1], [0], [0], [0, 0, 1, 0], [], []>, transpose_lhs_hint = false} : vector<256x128xbf16>, vector<8192x128xbf16>, vector<256x8192xf32> -> vector<256x8192xf32>
    %get3A_7 = arith.constant 0 : index
    %get3A_8 = arith.constant 0 : index
    %get3A_9 = vector.load %arg5[%get3A_7, %get3A_8] : memref<1x8192xi32, #tpu.memory_space<vmem>>, vector<1x8192xi32>
    %convert_element_type3A_10 = arith.sitofp %get3A_9 : vector<1x8192xi32> to vector<1x8192xf32>
    %add3A = arith.constant 2.000000e+00 : f32
    %add3A_11 = vector.broadcast %add3A : f32 to vector<1x8192xf32>
    %add3A_12 = arith.addf %convert_element_type3A_10, %add3A_11 : vector<1x8192xf32>
    %log3A = math.log %add3A_12 : vector<1x8192xf32>
    %add3A_13 = arith.constant 1.000000e+00 : f32
    %add3A_14 = vector.broadcast %add3A_13 : f32 to vector<1x8192xf32>
    %add3A_15 = arith.addf %convert_element_type3A_10, %add3A_14 : vector<1x8192xf32>
    %log3A_16 = math.log %add3A_15 : vector<1x8192xf32>
    %sub3A = arith.subf %log3A, %log3A_16 : vector<1x8192xf32>
    %div3A = arith.constant 11.5129356 : f32
    %div3A_17 = vector.broadcast %div3A : f32 to vector<1x8192xf32>
    %div3A_18 = arith.divf %sub3A, %div3A_17 : vector<1x8192xf32>
    %log3A_19 = math.log %div3A_18 : vector<1x8192xf32>
    %add3A_20 = arith.constant 9.01091289 : f32
    %add3A_21 = vector.broadcast %add3A_20 : f32 to vector<1x8192xf32>
    %add3A_22 = arith.addf %add3A_21, %log3A_19 : vector<1x8192xf32>
    %sub3A_23 = vector.broadcast %add3A_22 : vector<1x8192xf32> to vector<256x8192xf32>
    %sub3A_24 = arith.subf %dot_general3A_6, %sub3A_23 : vector<256x8192xf32>
    %exp3A = math.exp %sub3A_24 : vector<256x8192xf32>
    %get3A_25 = arith.constant 0 : index
    %get3A_26 = arith.constant 0 : index
    %get3A_27 = arith.constant 0 : index
    %get3A_28 = vector.load %arg4[%get3A_25, %get3A_26, %get3A_27] : memref<1x256x1xi32, #tpu.memory_space<vmem>>, vector<1x256x1xi32>
    %get3A_29 = vector.shape_cast %get3A_28 : vector<1x256x1xi32> to vector<256x1xi32>
    %eq3A = vector.broadcast %get3A_29 : vector<256x1xi32> to vector<256x8192xi32>
    %eq3A_30 = vector.broadcast %get3A_9 : vector<1x8192xi32> to vector<256x8192xi32>
    %eq3A_31 = arith.cmpi eq, %eq3A, %eq3A_30 : vector<256x8192xi32>
    %jit3A = arith.constant 0.000000e+00 : f32
    %broadcast_in_dim3A = vector.broadcast %jit3A : f32 to vector<256x8192xf32>
    %select_n3A = arith.select %eq3A_31, %broadcast_in_dim3A, %exp3A : vector<256x8192xi1>, vector<256x8192xf32>
    %reduce_sum3A = arith.constant dense<0.000000e+00> : vector<256xf32>
    %reduce_sum3A_32 = vector.multi_reduction <add>, %select_n3A, %reduce_sum3A [1] : vector<256x8192xf32> to vector<256xf32>
    %broadcast_in_dim3A_33 = vector.shape_cast %reduce_sum3A_32 : vector<256xf32> to vector<256x1xf32>
    %get3A_34 = arith.constant 0 : index
    %get3A_35 = arith.constant 0 : index
    %get3A_36 = vector.load %arg3[%get3A_34, %get3A_35] : memref<256x128xf32, #tpu.memory_space<vmem>>, vector<256x128xf32>
    %mul3A = arith.mulf %get3A_1, %get3A_36 : vector<256x128xf32>
    %reduce_sum3A_37 = arith.constant dense<0.000000e+00> : vector<256xf32>
    %reduce_sum3A_38 = vector.multi_reduction <add>, %mul3A, %reduce_sum3A_37 [1] : vector<256x128xf32> to vector<256xf32>
    %broadcast_in_dim3A_39 = vector.shape_cast %reduce_sum3A_38 : vector<256xf32> to vector<256x1xf32>
    %convert_element_type3A_40 = arith.sitofp %get3A_29 : vector<256x1xi32> to vector<256x1xf32>
    %add3A_41 = arith.constant 2.000000e+00 : f32
    %add3A_42 = vector.broadcast %add3A_41 : f32 to vector<256x1xf32>
    %add3A_43 = arith.addf %convert_element_type3A_40, %add3A_42 : vector<256x1xf32>
    %log3A_44 = math.log %add3A_43 : vector<256x1xf32>
    %add3A_45 = arith.constant 1.000000e+00 : f32
    %add3A_46 = vector.broadcast %add3A_45 : f32 to vector<256x1xf32>
    %add3A_47 = arith.addf %convert_element_type3A_40, %add3A_46 : vector<256x1xf32>
    %log3A_48 = math.log %add3A_47 : vector<256x1xf32>
    %sub3A_49 = arith.subf %log3A_44, %log3A_48 : vector<256x1xf32>
    %div3A_50 = arith.constant 11.5129356 : f32
    %div3A_51 = vector.broadcast %div3A_50 : f32 to vector<256x1xf32>
    %div3A_52 = arith.divf %sub3A_49, %div3A_51 : vector<256x1xf32>
    %log3A_53 = math.log %div3A_52 : vector<256x1xf32>
    %add3A_54 = arith.constant 9.01091289 : f32
    %add3A_55 = vector.broadcast %add3A_54 : f32 to vector<256x1xf32>
    %add3A_56 = arith.addf %add3A_55, %log3A_53 : vector<256x1xf32>
    %sub3A_57 = arith.subf %broadcast_in_dim3A_39, %add3A_56 : vector<256x1xf32>
    %exp3A_58 = math.exp %sub3A_57 : vector<256x1xf32>
    %add3A_59 = arith.addf %broadcast_in_dim3A_33, %exp3A_58 : vector<256x1xf32>
    %log3A_60 = math.log %add3A_59 : vector<256x1xf32>
    %sub3A_61 = arith.subf %log3A_60, %sub3A_57 : vector<256x1xf32>
    %swap3A = arith.constant 0 : index
    %swap3A_62 = arith.constant 0 : index
    %swap3A_63 = vector.load %arg6[%swap3A, %swap3A_62] : memref<256x1xf32, #tpu.memory_space<vmem>>, vector<256x1xf32>
    tpu.vector_store %arg6[%swap3A, %swap3A_62], %sub3A_61 {strides = array<i32>} : memref<256x1xf32, #tpu.memory_space<vmem>>, vector<256x1xf32>,
    return
  }
  func.func @transform_0(%arg0: i32) -> (i32, i32) {
    %c0_i32 = arith.constant 0 : i32
    %c0_i32_0 = arith.constant 0 : i32
    return %arg0, %c0_i32 : i32, i32
  }
  func.func @transform_1(%arg0: i32) -> (i32, i32) {
    %c0_i32 = arith.constant 0 : i32
    %c0_i32_0 = arith.constant 0 : i32
    %c0_i32_1 = arith.constant 0 : i32
    return %c0_i32, %c0_i32_0 : i32, i32
  }
  func.func @transform_2(%arg0: i32) -> (i32, i32) {
    %c0_i32 = arith.constant 0 : i32
    %c0_i32_0 = arith.constant 0 : i32
    return %arg0, %c0_i32 : i32, i32
  }
  func.func @transform_3(%arg0: i32) -> (i32, i32, i32) {
    %c0_i32 = arith.constant 0 : i32
    %c0_i32_0 = arith.constant 0 : i32
    %c0_i32_1 = arith.constant 0 : i32
    return %arg0, %c0_i32, %c0_i32_0 : i32, i32, i32
  }
  func.func @transform_4(%arg0: i32) -> (i32, i32) {
    %c0_i32 = arith.constant 0 : i32
    %c0_i32_0 = arith.constant 0 : i32
    %c0_i32_1 = arith.constant 0 : i32
    return %c0_i32, %c0_i32_0 : i32, i32
  }
  func.func @transform_5(%arg0: i32) -> (i32, i32) {
    %c0_i32 = arith.constant 0 : i32
    %c0_i32_0 = arith.constant 0 : i32
    return %arg0, %c0_i32 : i32, i32
  }
}

</mosaic_0001>

<sc_bundles>
// kernel: kernel.4.cloned.1.call-start
scs
__scs_entry_jumppad:
0x0: {  	(pc) =	sbr.rel $0x88, $3  }
0x1: {  	(tag) =	ssettag $0x0;
	lr =	simm.s32 $0x1  }
0x2: {  	[smem:$0x3F9E] =	sst lr;
	_ =	strace $0xD0000000  }
0x3: {  	_ = 	snop  }
0x4: {  	_ = 	snop  }
0x5: {  	_ = 	snop  }
0x6: {  	_ = 	snop  }
0x7: {  	_ = 	snop  }
__scs_overlays_trampoline_lowered:
0x8: {  	[smem:$0x3FAD] =	sst s0  }
0x9: {  	[smem:$0x3FAE] =	sst s1  }
0xa: {  	[smem:$0x3FAF] =	sst s2  }
0xb: {  	[smem:$0x3FB0] =	sst s3  }
0xc: {  	[smem:$0x3FB1] =	sst s4  }
0xd: {  	[smem:$0x3FB2] =	sst s5  }
0xe: {  	[smem:$0x3FB3] =	sst s6  }
0xf: {  	[smem:$0x3FB4] =	sst s7  }
0x10: {  	[smem:$0x3FB5] =	sst s8  }
0x11: {  	[smem:$0x3FB6] =	sst s9;
	s0 =	simm.s32 @!p0 $0x0  }
0x12: {  	s1 =	sld [smem:$0x3F9C];
	s0 =	simm.s32 @p0 $0x1  }
0x13: {  	[smem:$0x3FB7] =	sst s0;
	s0 =	simm.s32 @!p1 $0x0  }
0x14: {  	s2 =	sld [smem:$0x3F9B];
	s0 =	simm.s32 @p1 $0x1  }
0x15: {  	[smem:$0x3FB8] =	sst s0;
	s0 =	simm.s32 @!p2 $0x0  }
0x16: {  	s3 =	sld [smem:$0x3FDB];
	s0 =	simm.s32 @p2 $0x1  }
0x17: {  	s4 =	simm.s32 $0x1BF5;
	[smem:$0x3FBA] =	sst s0  }
0x18: {  	s0 =	sld [smem:$0x3F9D];
	_ =	swait.ge [sflag:s4], $0x0  }
0x19: {  	s7 =	sld [smem:$0x3F9E]  }
0x1a: {  	s8 =	sadd.s32 $0xFFFFE003, lr  }
0x1b: {  	s9 =	sadd.s32 $0xFFFFFEF7, lr;
	s5 =	simm.s32 $0xFFFFFFFF;
	p2 =	slt.u32 s8, $0xFFFFF086  }
0x1c: {  	p1 =	slt.u32 s9, $0xF7A;
	s5 =	simm.s32 @!p2 $0x0  }
0x1d: {  	s5 =	simm.s32 @p1 $0x1;
	p0 =	seq.s32 s7, s2  }
0x1e: {  	s7 =	smul.u32 @!p0 $0xF7A, s2;
	p2 =	seq.s32 @!p0 s5, $0x0  }
0x1f: {  	s9 =	smul.u32 $0xF7A, s1;
	s8 =	simm.s32 @!p0 $0x1BF5;
	p2 =	por !p2, p0  }
0x20: {  	[sflag:s8] =	ssyncset.s32 @!p0 $0xFFFFF086;
	s6 =	sadd.s32 @!p0 s3, s7;
	s7 =	simm.s32 @!p0 $0x108  }
0x21: {  	s3 =	sadd.s32 s3, s9;
	s6 =	sadd.s32 @!p0 $0x88, s6;
	s7 =	simm.s32 @p2 $0x1082  }
0x22: {  	[simem:s7], [sflag:s8] =	dma.local @!p0 [hbm:s6], $0xF7A  }
0x23: {  	s9 =	sor.u32 $0xD0000000, s2;
	s6 =	simm.s32 $0x108;
	_ =	swait.ge @!p0 [sflag:s8], $0x0  }
0x24: {  	s3 =	sadd.s32 $0x88, s3;
	s6 =	simm.s32 @!p1 $0x1082;
	[sflag:s4] =	ssyncset.s32 $0xFFFFF086  }
0x25: {  	[simem:s6], [sflag:s4] =	dma.local [hbm:s3], $0xF7A  }
0x26: {  	[smem:$0x3F9E] =	sst s1;
	(tag) =	ssettag s2;
	_ =	strace s9  }
0x27: {  	s1 =	sld [smem:$0x3FAE]  }
0x28: {  	s2 =	sld [smem:$0x3FAF]  }
0x29: {  	s4 =	sld [smem:$0x3FB1]  }
0x2a: {  	p0 =	seq.s32 s5, $0x0;
	s5 =	sld [smem:$0x3FB2]  }
0x2b: {  	s6 =	sld [smem:$0x3FB3]  }
0x2c: {  	s7 =	sld [smem:$0x3FB4]  }
0x2d: {  	s3 =	simm.s32 $0x108;
	s8 =	sld [smem:$0x3FB5]  }
0x2e: {  	s3 =	simm.s32 @!p0 $0x1082;
	s9 =	sld [smem:$0x3FB6]  }
0x2f: {  	lr =	sadd.s32 s0, s3;
	s0 =	sld [smem:$0x3FAD]  }
0x30: {  	s3 =	sld [smem:$0x3FB0]  }
0x31: {  	[smem:$0x3FB9] =	sst s10  }
0x32: {  	s10 =	sld [smem:$0x3FB7];
	_ =	sdelay $0x3  }
0x33: {  	p0 =	seq.s32 s10, $0x1;
	s10 =	sld [smem:$0x3FB9];
	_ =	sdelay $0x3  }
0x34: {  	[smem:$0x3FB9] =	sst s10  }
0x35: {  	s10 =	sld [smem:$0x3FB8];
	_ =	sdelay $0x3  }
0x36: {  	p1 =	seq.s32 s10, $0x1;
	s10 =	sld [smem:$0x3FB9];
	_ =	sdelay $0x3  }
0x37: {  	[smem:$0x3FB9] =	sst s10  }
0x38: {  	s10 =	sld [smem:$0x3FBA]  }
0x39: {  	_ = 	snop;
	(pc) =	sbr.ind lr, $3  }
0x3a: {  	_ = 	snop  }
0x3b: {  	_ = 	snop  }
0x3c: {  	p2 =	seq.s32 s10, $0x1;
	s10 =	sld [smem:$0x3FB9]  }
0x3d: {  	_ =	shalt  }
0x3e: {  	_ =	shalt  }
0x3f: {  	_ =	shalt  }
0x40: {  	_ =	shalt  }
0x41: {  	_ =	shalt  }
0x42: {  	_ =	shalt  }
0x43: {  	_ =	shalt  }
0x44: {  	_ =	shalt  }
0x45: {  	_ =	shalt  }
0x46: {  	_ =	shalt  }
0x47: {  	_ =	shalt  }
0x48: {  	_ =	shalt  }
0x49: {  	_ =	shalt  }
0x4a: {  	_ =	shalt  }
0x4b: {  	_ =	shalt  }
0x4c: {  	_ =	shalt  }
0x4d: {  	_ =	shalt  }
0x4e: {  	_ =	shalt  }
0x4f: {  	_ =	shalt  }
0x50: {  	_ =	shalt  }
0x51: {  	_ =	shalt  }
0x52: {  	_ =	shalt  }
0x53: {  	_ =	shalt  }
0x54: {  	_ =	shalt  }
0x55: {  	_ =	shalt  }
0x56: {  	_ =	shalt  }
0x57: {  	_ =	shalt  }
0x58: {  	_ =	shalt  }
0x59: {  	_ =	shalt  }
0x5a: {  	_ =	shalt  }
0x5b: {  	_ =	shalt  }
0x5c: {  	_ =	shalt  }
0x5d: {  	_ =	shalt  }
0x5e: {  	_ =	shalt  }
0x5f: {  	_ =	shalt  }
0x60: {  	_ =	shalt  }
0x61: {  	_ =	shalt  }
0x62: {  	_ =	shalt  }
0x63: {  	_ =	shalt  }
0x64: {  	_ =	shalt  }
0x65: {  	_ =	shalt  }
0x66: {  	_ =	shalt  }
0x67: {  	_ =	shalt  }
0x68: {  	_ =	shalt  }
0x69: {  	_ =	shalt  }
0x6a: {  	_ =	shalt  }
0x6b: {  	_ =	shalt  }
0x6c: {  	_ =	shalt  }
0x6d: {  	_ =	shalt  }
0x6e: {  	_ =	shalt  }
0x6f: {  	_ =	shalt  }
0x70: {  	_ =	shalt  }
0x71: {  	_ =	shalt  }
0x72: {  	_ =	shalt  }
0x73: {  	_ =	shalt  }
0x74: {  	_ =	shalt  }
0x75: {  	_ =	shalt  }
0x76: {  	_ =	shalt  }
0x77: {  	_ =	shalt  }
0x78: {  	_ =	shalt  }
0x79: {  	_ =	shalt  }
0x7a: {  	_ =	shalt  }
0x7b: {  	_ =	shalt  }
0x7c: {  	_ =	shalt  }
0x7d: {  	_ =	shalt  }
0x7e: {  	_ =	shalt  }
0x7f: {  	_ =	shalt  }
0x80: {  	_ =	shalt  }
0x81: {  	_ =	shalt  }
0x82: {  	_ =	shalt  }
0x83: {  	_ =	shalt  }
0x84: {  	_ =	shalt  }
0x85: {  	_ =	shalt  }
0x86: {  	_ =	shalt  }
0x87: {  	_ =	shalt  }
.Lfunc_end0:
.L_simem_size_0:
called_computation_lowered:
.L_overlay_start_0:
0x88: {  	s2 =	sld [smem:$0x3FD9]  }
0x89: {  	s3 =	sld [smem:$0x3FFE];
	_ =	sdelay $0x1  }
0x8a: {  	s1 =	srdreg.scid  }
0x8b: {  	s0 =	sand.u32 $0x1, s1  }
0x8c: {  	s17 =	sshll.u32 s0, $0xA;
	s2 =	sadd.s32 s3, s2  }
0x8d: {  	s2 =	sadd.s32 s2, s17  }
0x8e: {  	[smem:$0x3FC5] =	sst s2  }
0x8f: {  	_ = 	snop  }
0x90: {  	s2 =	sld [smem:$0x3FC9];
	(tm) =	ssettm $0x1  }
0x91: {  	s18 =	sld [smem:$0x3FFB];
	_ =	sdelay $0x3  }
0x92: {  	_ =	strace s18  }
0x93: {  	s3 =	sld [smem:$0x3FFC];
	_ =	sdelay $0x3  }
0x94: {  	_ =	strace s3  }
0x95: {  	s3 =	sld [smem:$0x3FFD];
	_ =	sdelay $0x3  }
0x96: {  	_ =	strace s3  }
0x97: {  	_ =	strace $0x8FFFFFFF  }
0x98: {  	s19 =	sld [smem:$0x3FDB];
	_ =	sdelay $0x1  }
0x99: {  	s4 =	simm.s32 $_scs_section_size  }
0x9a: {  	s5 =	simm.s32 $_size__tile_overlayer_lowered;
	s6 =	simm.s32 $_tile_overlayer_lowered  }
0x9b: {  	s22 =	simm.s32 $0x1BFF;
	s21 =	sshll.u32 s6, $0x1;
	s3 =	sadd.s32 s4, s19  }
0x9c: {  	s7 =	simm.s32 $0x0;
	s20 =	sshll.u32 s5, $0x1;
	s5 =	sadd.s32 s21, s3  }
0x9d: {  	[timem:s7], [sflag:s22] =	dma.local [hbm:s5], s20  }
0x9e: {  	_ =	swait.ge [sflag:s22], s20  }
0x9f: {  	s4 =	ssub.s32 $0x0, s20;
	[sflag:s22] =	ssyncset.done $0x0  }
0xa0: {  	[sflag:s22] =	ssyncadd.s32 s4;
	_ =	sdelay $0x1  }
0xa1: {  	s23 =	simm.s32 $0x1B8B  }
0xa2: {  	_ =	swait.ge [sflag:s23], $0x1  }
0xa3: {  	[sflag:s23] =	ssyncset.done $0x0  }
0xa4: {  	s25 =	simm.s32 $0x1B8E;
	s24 =	sld [smem:$0x3FFE];
	[sflag:s23] =	ssyncadd.s32 $0xFFFFFFFF  }
0xa5: {  	s26 =	simm.s32 $execute0_lowered;
	[smem:$0x3FD2] =	sst s25  }
0xa6: {  	s5 =	sshll.u32 s26, $0x1;
	_ =	strace $0x80000046;
	[dreg:$0x1] =	wrdreg $0xFFFFFFFF  }
0xa7: {  	s28 =	simm.s32 $_size_execute0_lowered;
	s3 =	sadd.s32 s3, s5;
	[dreg:$0x0] =	wrdreg $0x0  }
0xa8: {  	s5 =	sshll.u32 s28, $0x1;
	[dreg:$0x2] =	wrdreg s3  }
0xa9: {  	[dreg:$0x3] =	wrdreg s5  }
0xaa: {  	[dreg:$0x4] =	wrdreg $0xC0  }
0xab: {  	_ =	task [dreg:s7], $0x5FFFF  }
0xac: {  	[dreg:$0x1] =	wrdreg $0xFFFFFFFF  }
0xad: {  	[dreg:$0x0] =	wrdreg $0x60  }
0xae: {  	[dreg:$0x2] =	wrdreg s2  }
0xaf: {  	[dreg:$0x3] =	wrdreg s24  }
0xb0: {  	[dreg:$0x4] =	wrdreg $0x9  }
0xb1: {  	_ =	task.clear_ibuf [dreg:s7], $0x5FFFF;
	_ =	strace $0x90000046  }
0xb2: {  	s29 =	simm.s32 $0x9;
	_ =	strace $0x80000048  }
0xb3: {  	_ =	swait.ge [sflag:s29], $0x1  }
0xb4: {  	[sflag:s29] =	ssyncadd.s32 $0xFFFFFFFF  }
0xb5: {  	_ =	strace $0x90000048  }
0xb6: {  	_ =	sfence  }
0xb7: {  	s30 =	sld [smem:$0x0];
	_ =	sdelay $0x2  }
0xb8: {  	s31 =	sshll.u32 s1, $0xD;
	s1 =	sshrl.u32 s1, $0x2  }
0xb9: {  	s3 =	sand.u32 $0x4000, s31;
	s1 =	sadd.s32 s1, s30  }
0xba: {  	s0 =	sor.u32 s3, s0;
	s1 =	sshll.u32 s1, $0x11  }
0xbb: {  	s0 =	sor.u32 s1, s0  }
0xbc: {  	s0 =	sadd.s32 $0x8F2B, s0  }
0xbd: {  	[sflag:s0] =	ssyncadd.remote.s32 $0x1  }
0xbe: {  	_ =	sfence.sel $0xFFFF  }
0xbf: {  	[dreg:$0x0] =	wrdreg $0xFFFFFFFF;
	(pc) =	sbr.abs _section_cstart, $3  }
0xc0: {  	[dreg:$0x1] =	wrdreg $0xFFFFFFFF  }
0xc1: {  	_ =	task.clear_ibuf [dreg:s7], $0x2FFFF;
	_ =	strace $0x9FFFFFFF  }
0xc2: {  	(tm) =	ssettm $0x7FFFFFFF  }
0xc3: {  	_ =	shalt  }
tec
execute0_lowered:
.L_overlay_start_1:
0x0: {  	(tag) =	ssettag $0x1  }
0x1: {  	s1 =	srdreg.scid;
	s0 =	stileid.u32  }
0x2: {  	s2 =	rddreg [dreg:$0x0];
	s6 =	sand.u32 $0x1, s1;
	s30 =	sshll.u32 s0, $0x1  }
0x3: {  	s8 =	rddreg [dreg:$0x1];
	s7 =	sor.u32 s6, s30  }
0x4: {  	s3 =	simm.s32 $0x0;
	s1 =	rddreg [dreg:$0x2];
	s4 =	smul.u32 $0x30, s7  }
0x5: {  	[smem:$0x7FF] =	sst s3  }
0x6: {  	_ =	strace $0x80000047;
	s10 =	ssub.s32 $0x2, s6;
	s4 =	sadd.s32 s4, s8  }
0x7: {  	s6 =	simm.s32 $0x180;
	s5 =	sadd.s32 $0x400, s4;
	s4 =	simm.s32 $0x2  }
0x8: {  	[tilespmem:s3], [sflag:$0x2] =	stream.linear.gather [hbm4b:s5+s3], $0x180, $0x38;
	[tilespmem:$0xC180] =	vst v63  }
0x9: {  	s9 =	smul.u32 $0x1800, s7;
	s11 =	sshrl.u32 s10, $0x1;
	_ =	swait.ge [sflag:s4], $0x180  }
0xa: {  	s7 =	simm.s32 $0x1;
	s31 =	ssub.s32 s10, s11;
	[sflag:s4] =	ssyncset.done $0x0  }
0xb: {  	s8 =	sadd.s32 s9, s8;
	s9 =	smax.u32 s31, $0x1;
	[sflag:s4] =	ssyncadd.s32 $0xFFFFFE80  }
0xc: {  	[tilespmem:s6], [sflag:$0x1] =	stream.indirect.gather [hbm4b:s2+s6], $0x80, s3, s6, $0xb8;
	[tilespmem:$0xC180] =	vst v63  }
0xd: {  	p0 =	sne.s32 s9, $0x1;
	_ =	swait.ge [sflag:s7], $0xC000  }
.Ltmp0:
0xe: {  	[sflag:s7] =	ssyncset.done $0x0;
	(pc) =	sbr.rel @!p0 .LBB2_2-.Ltmp0, $4  }
0xf: {  	s8 =	sadd.s32 $0xA00, s8;
	[sflag:s7] =	ssyncadd.s32 $0xFFFF4000  }
0x10: {  	[hbm4b:s8+s3] =	stream.linear.scatter [tilespmem:s6], [sflag:$0x2], $0xC000, $0x38;
	[tilespmem:$0xC180] =	vst v63  }
0x11: {  	_ =	swait.ge [sflag:s4], $0xC000  }
0x12: {  	s9 =	sadd.s32 $0xFFFFFFFF, s9;
	[sflag:s4] =	ssyncset.done $0x0  }
.LBB2_1:
0x13: {  	p0 =	sne.s32 s9, $0x1;
	s9 =	sadd.s32 $0xFFFFFFFF, s9;
	[sflag:s4] =	ssyncadd.s32 $0xFFFF4000  }
0x14: {  	[tilespmem:s3], [sflag:$0x2] =	stream.linear.gather [hbm4b:s5+s3], $0x180, $0x38;
	[tilespmem:$0xC180] =	vst v63  }
0x15: {  	_ =	swait.ge [sflag:s4], $0x180  }
0x16: {  	[sflag:s4] =	ssyncset.done $0x0  }
0x17: {  	[sflag:s4] =	ssyncadd.s32 $0xFFFFFE80  }
0x18: {  	[tilespmem:s6], [sflag:$0x1] =	stream.indirect.gather [hbm4b:s2+s6], $0x80, s3, s6, $0xb8;
	[tilespmem:$0xC180] =	vst v63  }
0x19: {  	_ =	swait.ge [sflag:s7], $0xC000  }
.Ltmp1:
0x1a: {  	[sflag:s7] =	ssyncset.done $0x0;
	(pc) =	sbr.rel @p0 .LBB2_1-.Ltmp1, $4  }
0x1b: {  	[sflag:s7] =	ssyncadd.s32 $0xFFFF4000  }
0x1c: {  	[hbm4b:s8+s3] =	stream.linear.scatter [tilespmem:s6], [sflag:$0x2], $0xC000, $0x38;
	[tilespmem:$0xC180] =	vst v63  }
0x1d: {  	_ =	swait.ge [sflag:s4], $0xC000  }
0x1e: {  	[sflag:s4] =	ssyncset.done $0x0  }
.LBB2_2:
0x1f: {  	[sflag:s4] =	ssyncadd.s32 $0xFFFF4000  }
0x20: {  	_ =	sfence.sel $0x180000  }
0x21: {  	[bflag:$0x0] =	sbarrier.arrive $0xFFFF  }
0x22: {  	p0 =	sne.s32 s0, $0x0;
	_ =	strace $0x90000047  }
0x23: {  	s0 =	sadd.s32 @!p0 $0x100000, s1;
	[bflag:$0x2] =	sbarrier.arrive $0xFFFF  }
0x24: {  	[sflag:s0] =	ssyncadd.tile.s32 @!p0 $0x1;
	_ =	shalt  }
.Lfunc_end2:
_tile_overlayer_lowered:
.L_overlay_start_2:
0x25: {  	(tag) =	ssettag $0x2  }
0x26: {  	s0 =	rddreg [dreg:$0x0];
	s2 =	stileid.u32  }
0x27: {  	s1 =	rddreg [dreg:$0x1];
	p0 =	sne.s32 s2, $0x0  }
0x28: {  	s3 =	rddreg [dreg:$0x2];
	[bflag:$0x3] =	sbarrier.arrive $0xFFFF;
	s2 =	simm.s32 @!p0 $0x1C02  }
0x29: {  	[timem:s3], [sflag:s2] =	dma.local @!p0 [hbm:s0], s1  }
0x2a: {  	s0 =	simm.s32 @!p0 $0x2  }
0x2b: {  	_ =	swait.ge @!p0 [sflag:s0], s1  }
0x2c: {  	s1 =	ssub.s32 @!p0 $0x0, s1;
	[sflag:s0] =	ssyncset.done @!p0 $0x0  }
0x2d: {  	[sflag:s0] =	ssyncadd.s32 @!p0 s1  }
0x2e: {  	[bflag:$0x3] =	sbarrier.arrive $0xFFFF  }
0x2f: {  	_ =	shalt  }

</sc_bundles>
